<compile_context>
chip_gen: v7x
topology: tpu7x:2x2x1
jax: 0.10.2.dev20260603
libtpu: 0.0.44.dev20260713+nightly
codegen_flags: <defaults>
</compile_context>

<pallas_src>
import functools

import jax
import jax.numpy as jnp
from jax.experimental import pallas as pl
from jax.experimental.pallas import tpu as pltpu
from jax.experimental.pallas import tpu_sc as plsc

_NC = 1
_NW = _NC * 16
_L = 16


def kernel(x, weight):
    batch = x.shape[0]
    chunk = batch // _NW
    n_flat = weight.shape[0] * weight.shape[1]
    wflat = weight.reshape(n_flat)

    mesh = plsc.VectorSubcoreMesh(core_axis_name="c", subcore_axis_name="s",
                                  num_cores=_NC)
    out_sds = jax.ShapeDtypeStruct((batch,), jnp.float32)

    @functools.partial(
        pl.kernel,
        out_type=(out_sds, out_sds),
        mesh=mesh,
        scratch_types=[
            pltpu.VMEM((chunk,), jnp.int32),
            pltpu.VMEM((n_flat,), jnp.float32),
            pltpu.VMEM((2, chunk), jnp.float32),
            pltpu.SemaphoreType.DMA,
        ],
        compiler_params=pltpu.CompilerParams(needs_layout_passes=False,
                                             skip_device_barrier=True),
    )
    def _sc_lookup(x_hbm, w_hbm, ox_hbm, oy_hbm, idx_v, tab_v, o_v, sem):
        wid = jax.lax.axis_index("s") * _NC + jax.lax.axis_index("c")
        base = wid * chunk
        cp_idx = pltpu.async_copy(x_hbm.at[pl.ds(base, chunk)], idx_v, sem)
        cp_tab = pltpu.async_copy(w_hbm, tab_v, sem)
        cp_tab.wait()
        cp_idx.wait()

        @plsc.parallel_loop(0, chunk, step=_L, unroll=4)
        def _(i):
            idx2 = idx_v[pl.ds(i, _L)] * 2
            o_v[0, pl.ds(i, _L)] = plsc.load_gather(tab_v, [idx2])
            o_v[1, pl.ds(i, _L)] = plsc.load_gather(tab_v, [idx2 + 1])

        cp_ox = pltpu.async_copy(o_v.at[0], ox_hbm.at[pl.ds(base, chunk)], sem)
        cp_oy = pltpu.async_copy(o_v.at[1], oy_hbm.at[pl.ds(base, chunk)], sem)
        cp_ox.wait()
        cp_oy.wait()

    return _sc_lookup(x, wflat)

# --- scband reference (transcript-rebuilt; emitter-appended) ---
"""Pipeline reference for scband-affine-2207613190351 (READ-ONLY COPY).

The authoritative reference and input builder live on the scoring server;
editing this copy changes nothing except your own understanding.
"""

import jax, jax.numpy as jnp
import numpy as np


def setup_inputs(seed: int = 0) -> dict:
    key = jax.random.key(seed)
    k_x, k_w = jax.random.split(key)
    x = jax.random.randint(k_x, (16384,), 0, 181, dtype=jnp.int64) if jax.config.jax_enable_x64 else jax.random.randint(k_x, (16384,), 0, 181, dtype=jnp.int32)
    weight = jax.random.normal(k_w, (181, 2), dtype=jnp.float32)
    return {"x": x, "weight": weight}


def reference(x, weight):
    # nn.Embedding lookup: gather rows of the table
    out = jnp.take(weight, x, axis=0)  # [B, 2]
    out_x = out[:, 0]
    out_y = out[:, 1]
    return (out_x, out_y)

if __name__ == "__main__":
    import jax
    _d = setup_inputs()
    print(jax.jit(kernel)(*tuple(_d.values())))

</pallas_src>

<mosaic_0001>
#map = affine_map<(d0, d1) -> (0)>
module attributes {stable_mosaic.version = 14 : i64} {
  func.func @_sc_lookup(%arg0: i32, %arg1: i32, %arg2: memref<16384xi32, #tpu.memory_space<hbm>>, %arg3: memref<362xf32, #tpu.memory_space<hbm>>, %arg4: memref<16384xf32, #tpu.memory_space<hbm>>, %arg5: memref<16384xf32, #tpu.memory_space<hbm>>, %arg6: memref<1024xi32, #tpu.memory_space<vmem>>, %arg7: memref<362xf32, #tpu.memory_space<vmem>>, %arg8: memref<2x1024xf32, #tpu.memory_space<vmem>>, %arg9: memref<!tpu.dma_semaphore, #tpu.memory_space<semaphore_mem>>) attributes {dimension_semantics = [#tpu.dimension_semantics<core_parallel>, #tpu.dimension_semantics<subcore_parallel>], iteration_bounds = array<i64: 1, 16>, scalar_prefetch = 0 : i64, scratch_operands = 4 : i64, tpu.core_type = #tpu.core_type<sc_vector_subcore>, window_params = [{transform_indices = #map}, {transform_indices = #map}, {transform_indices = #map}, {transform_indices = #map}]} {
    %mul3A = arith.constant 1 : i32
    %mul3A_0 = arith.muli %arg1, %mul3A : i32
    %add3A = arith.addi %mul3A_0, %arg0 : i32
    %mul3A_1 = arith.constant 1024 : i32
    %mul3A_2 = arith.muli %add3A, %mul3A_1 : i32
    %dma_start3A = tpu.memref_slice %arg2[%mul3A_2] : memref<16384xi32, #tpu.memory_space<hbm>> -> memref<1024xi32, #tpu.memory_space<hbm>>
    %dma_start3A_3 = tpu.memref_slice %arg2[%mul3A_2] : memref<16384xi32, #tpu.memory_space<hbm>> -> memref<1024xi32, #tpu.memory_space<hbm>>
    tpu.enqueue_dma source(%dma_start3A_3 : memref<1024xi32, #tpu.memory_space<hbm>>) target(%arg6 : memref<1024xi32, #tpu.memory_space<vmem>>) target_semaphore(%arg9 : memref<!tpu.dma_semaphore, #tpu.memory_space<semaphore_mem>>)
    tpu.enqueue_dma source(%arg3 : memref<362xf32, #tpu.memory_space<hbm>>) target(%arg7 : memref<362xf32, #tpu.memory_space<vmem>>) target_semaphore(%arg9 : memref<!tpu.dma_semaphore, #tpu.memory_space<semaphore_mem>>)
    tpu.wait_dma2 semaphore(%arg9 : memref<!tpu.dma_semaphore, #tpu.memory_space<semaphore_mem>>) src(%arg3 : memref<362xf32, #tpu.memory_space<hbm>>) dst(%arg7 : memref<362xf32, #tpu.memory_space<vmem>>)
    %dma_wait3A = tpu.memref_slice %arg2[%mul3A_2] : memref<16384xi32, #tpu.memory_space<hbm>> -> memref<1024xi32, #tpu.memory_space<hbm>>
    %dma_wait3A_4 = tpu.memref_slice %arg2[%mul3A_2] : memref<16384xi32, #tpu.memory_space<hbm>> -> memref<1024xi32, #tpu.memory_space<hbm>>
    tpu.wait_dma2 semaphore(%arg9 : memref<!tpu.dma_semaphore, #tpu.memory_space<semaphore_mem>>) src(%dma_wait3A_4 : memref<1024xi32, #tpu.memory_space<hbm>>) dst(%arg6 : memref<1024xi32, #tpu.memory_space<vmem>>)
    %parallel_loop3A = arith.constant 0 : i32
    %parallel_loop3A_5 = arith.constant 1024 : i32
    %parallel_loop3A_6 = arith.constant 16 : i32
    scf.for %parallel_loop3A_43 = %parallel_loop3A to %parallel_loop3A_5 step %parallel_loop3A_6  : i32 {
      %parallel_loop3A_44 = arith.index_cast %parallel_loop3A_43 : i32 to index
      %parallel_loop3A_45 = tpu.vector_load %arg6[%parallel_loop3A_44] {strides = array<i32>} : memref<1024xi32, #tpu.memory_space<vmem>>, vector<16xi32>,
      %parallel_loop3A_46 = arith.constant 2 : i32
      %parallel_loop3A_47 = vector.broadcast %parallel_loop3A_46 : i32 to vector<16xi32>
      %parallel_loop3A_48 = arith.muli %parallel_loop3A_45, %parallel_loop3A_47 : vector<16xi32>
      %parallel_loop3A_49 = tpu.vector_load_idx %arg7[%parallel_loop3A_48] : memref<362xf32, #tpu.memory_space<vmem>>[vector<16xi32>], vector<16xf32>,
      %parallel_loop3A_50 = arith.constant 0 : i32
      %parallel_loop3A_51 = arith.index_cast %parallel_loop3A_50 : i32 to index
      %parallel_loop3A_52 = arith.index_cast %parallel_loop3A_43 : i32 to index
      %parallel_loop3A_53 = tpu.vector_load %arg8[%parallel_loop3A_51, %parallel_loop3A_52] {strides = array<i32>} : memref<2x1024xf32, #tpu.memory_space<vmem>>, vector<16xf32>,
      tpu.vector_store %arg8[%parallel_loop3A_51, %parallel_loop3A_52], %parallel_loop3A_49 {strides = array<i32>} : memref<2x1024xf32, #tpu.memory_space<vmem>>, vector<16xf32>,
      %parallel_loop3A_54 = arith.constant 1 : i32
      %parallel_loop3A_55 = vector.broadcast %parallel_loop3A_54 : i32 to vector<16xi32>
      %parallel_loop3A_56 = arith.addi %parallel_loop3A_48, %parallel_loop3A_55 : vector<16xi32>
      %parallel_loop3A_57 = tpu.vector_load_idx %arg7[%parallel_loop3A_56] : memref<362xf32, #tpu.memory_space<vmem>>[vector<16xi32>], vector<16xf32>,
      %parallel_loop3A_58 = arith.constant 1 : i32
      %parallel_loop3A_59 = arith.index_cast %parallel_loop3A_58 : i32 to index
      %parallel_loop3A_60 = arith.index_cast %parallel_loop3A_43 : i32 to index
      %parallel_loop3A_61 = tpu.vector_load %arg8[%parallel_loop3A_59, %parallel_loop3A_60] {strides = array<i32>} : memref<2x1024xf32, #tpu.memory_space<vmem>>, vector<16xf32>,
      tpu.vector_store %arg8[%parallel_loop3A_59, %parallel_loop3A_60], %parallel_loop3A_57 {strides = array<i32>} : memref<2x1024xf32, #tpu.memory_space<vmem>>, vector<16xf32>,
    } {sc.loop_unroll_factor = 4 : i64, sc.parallel_access}
    %dma_start3A_7 = arith.constant 0 : i32
    %dma_start3A_8 = arith.constant 0 : i32
    %dma_start3A_9 = tpu.memref_slice %arg8[%dma_start3A_7, %dma_start3A_8] : memref<2x1024xf32, #tpu.memory_space<vmem>> -> memref<1x1024xf32, #tpu.memory_space<vmem>>
    %dma_start3A_10 = tpu.memref_squeeze %dma_start3A_9 : memref<1x1024xf32, #tpu.memory_space<vmem>> -> memref<1024xf32, #tpu.memory_space<vmem>>
    %dma_start3A_11 = tpu.memref_slice %arg4[%mul3A_2] : memref<16384xf32, #tpu.memory_space<hbm>> -> memref<1024xf32, #tpu.memory_space<hbm>>
    %dma_start3A_12 = tpu.memref_slice %arg4[%mul3A_2] : memref<16384xf32, #tpu.memory_space<hbm>> -> memref<1024xf32, #tpu.memory_space<hbm>>
    %dma_start3A_13 = arith.constant 0 : i32
    %dma_start3A_14 = tpu.memref_slice %arg8[%dma_start3A_7, %dma_start3A_13] : memref<2x1024xf32, #tpu.memory_space<vmem>> -> memref<1x1024xf32, #tpu.memory_space<vmem>>
    %dma_start3A_15 = tpu.memref_squeeze %dma_start3A_14 : memref<1x1024xf32, #tpu.memory_space<vmem>> -> memref<1024xf32, #tpu.memory_space<vmem>>
    tpu.enqueue_dma source(%dma_start3A_15 : memref<1024xf32, #tpu.memory_space<vmem>>) target(%dma_start3A_12 : memref<1024xf32, #tpu.memory_space<hbm>>) target_semaphore(%arg9 : memref<!tpu.dma_semaphore, #tpu.memory_space<semaphore_mem>>)
    %dma_start3A_16 = arith.constant 1 : i32
    %dma_start3A_17 = arith.constant 0 : i32
    %dma_start3A_18 = tpu.memref_slice %arg8[%dma_start3A_16, %dma_start3A_17] : memref<2x1024xf32, #tpu.memory_space<vmem>> -> memref<1x1024xf32, #tpu.memory_space<vmem>>
    %dma_start3A_19 = tpu.memref_squeeze %dma_start3A_18 : memref<1x1024xf32, #tpu.memory_space<vmem>> -> memref<1024xf32, #tpu.memory_space<vmem>>
    %dma_start3A_20 = tpu.memref_slice %arg5[%mul3A_2] : memref<16384xf32, #tpu.memory_space<hbm>> -> memref<1024xf32, #tpu.memory_space<hbm>>
    %dma_start3A_21 = tpu.memref_slice %arg5[%mul3A_2] : memref<16384xf32, #tpu.memory_space<hbm>> -> memref<1024xf32, #tpu.memory_space<hbm>>
    %dma_start3A_22 = arith.constant 0 : i32
    %dma_start3A_23 = tpu.memref_slice %arg8[%dma_start3A_16, %dma_start3A_22] : memref<2x1024xf32, #tpu.memory_space<vmem>> -> memref<1x1024xf32, #tpu.memory_space<vmem>>
    %dma_start3A_24 = tpu.memref_squeeze %dma_start3A_23 : memref<1x1024xf32, #tpu.memory_space<vmem>> -> memref<1024xf32, #tpu.memory_space<vmem>>
    tpu.enqueue_dma source(%dma_start3A_24 : memref<1024xf32, #tpu.memory_space<vmem>>) target(%dma_start3A_21 : memref<1024xf32, #tpu.memory_space<hbm>>) target_semaphore(%arg9 : memref<!tpu.dma_semaphore, #tpu.memory_space<semaphore_mem>>)
    %dma_wait3A_25 = arith.constant 0 : i32
    %dma_wait3A_26 = arith.constant 0 : i32
    %dma_wait3A_27 = tpu.memref_slice %arg8[%dma_wait3A_25, %dma_wait3A_26] : memref<2x1024xf32, #tpu.memory_space<vmem>> -> memref<1x1024xf32, #tpu.memory_space<vmem>>
    %dma_wait3A_28 = tpu.memref_squeeze %dma_wait3A_27 : memref<1x1024xf32, #tpu.memory_space<vmem>> -> memref<1024xf32, #tpu.memory_space<vmem>>
    %dma_wait3A_29 = tpu.memref_slice %arg4[%mul3A_2] : memref<16384xf32, #tpu.memory_space<hbm>> -> memref<1024xf32, #tpu.memory_space<hbm>>
    %dma_wait3A_30 = tpu.memref_slice %arg4[%mul3A_2] : memref<16384xf32, #tpu.memory_space<hbm>> -> memref<1024xf32, #tpu.memory_space<hbm>>
    %dma_wait3A_31 = arith.constant 0 : i32
    %dma_wait3A_32 = tpu.memref_slice %arg8[%dma_wait3A_25, %dma_wait3A_31] : memref<2x1024xf32, #tpu.memory_space<vmem>> -> memref<1x1024xf32, #tpu.memory_space<vmem>>
    %dma_wait3A_33 = tpu.memref_squeeze %dma_wait3A_32 : memref<1x1024xf32, #tpu.memory_space<vmem>> -> memref<1024xf32, #tpu.memory_space<vmem>>
    tpu.wait_dma2 semaphore(%arg9 : memref<!tpu.dma_semaphore, #tpu.memory_space<semaphore_mem>>) src(%dma_wait3A_33 : memref<1024xf32, #tpu.memory_space<vmem>>) dst(%dma_wait3A_30 : memref<1024xf32, #tpu.memory_space<hbm>>)
    %dma_wait3A_34 = arith.constant 1 : i32
    %dma_wait3A_35 = arith.constant 0 : i32
    %dma_wait3A_36 = tpu.memref_slice %arg8[%dma_wait3A_34, %dma_wait3A_35] : memref<2x1024xf32, #tpu.memory_space<vmem>> -> memref<1x1024xf32, #tpu.memory_space<vmem>>
    %dma_wait3A_37 = tpu.memref_squeeze %dma_wait3A_36 : memref<1x1024xf32, #tpu.memory_space<vmem>> -> memref<1024xf32, #tpu.memory_space<vmem>>
    %dma_wait3A_38 = tpu.memref_slice %arg5[%mul3A_2] : memref<16384xf32, #tpu.memory_space<hbm>> -> memref<1024xf32, #tpu.memory_space<hbm>>
    %dma_wait3A_39 = tpu.memref_slice %arg5[%mul3A_2] : memref<16384xf32, #tpu.memory_space<hbm>> -> memref<1024xf32, #tpu.memory_space<hbm>>
    %dma_wait3A_40 = arith.constant 0 : i32
    %dma_wait3A_41 = tpu.memref_slice %arg8[%dma_wait3A_34, %dma_wait3A_40] : memref<2x1024xf32, #tpu.memory_space<vmem>> -> memref<1x1024xf32, #tpu.memory_space<vmem>>
    %dma_wait3A_42 = tpu.memref_squeeze %dma_wait3A_41 : memref<1x1024xf32, #tpu.memory_space<vmem>> -> memref<1024xf32, #tpu.memory_space<vmem>>
    tpu.wait_dma2 semaphore(%arg9 : memref<!tpu.dma_semaphore, #tpu.memory_space<semaphore_mem>>) src(%dma_wait3A_42 : memref<1024xf32, #tpu.memory_space<vmem>>) dst(%dma_wait3A_39 : memref<1024xf32, #tpu.memory_space<hbm>>)
    return
  }
}

</mosaic_0001>

<sc_bundles>
// kernel: kernel.3.cloned.1.call-start
scs
__scs_entry_jumppad:
0x0: {  	(pc) =	sbr.rel $0x88, $3  }
0x1: {  	(tag) =	ssettag $0x0;
	lr =	simm.s32 $0x1  }
0x2: {  	[smem:$0x3F9F] =	sst lr;
	_ =	strace $0xD0000000  }
0x3: {  	_ = 	snop  }
0x4: {  	_ = 	snop  }
0x5: {  	_ = 	snop  }
0x6: {  	_ = 	snop  }
0x7: {  	_ = 	snop  }
__scs_overlays_trampoline_lowered:
0x8: {  	[smem:$0x3FAE] =	sst s0  }
0x9: {  	[smem:$0x3FAF] =	sst s1  }
0xa: {  	[smem:$0x3FB0] =	sst s2  }
0xb: {  	[smem:$0x3FB1] =	sst s3  }
0xc: {  	[smem:$0x3FB2] =	sst s4  }
0xd: {  	[smem:$0x3FB3] =	sst s5  }
0xe: {  	[smem:$0x3FB4] =	sst s6  }
0xf: {  	[smem:$0x3FB5] =	sst s7  }
0x10: {  	[smem:$0x3FB6] =	sst s8  }
0x11: {  	[smem:$0x3FB7] =	sst s9;
	s0 =	simm.s32 @!p0 $0x0  }
0x12: {  	s1 =	sld [smem:$0x3F9D];
	s0 =	simm.s32 @p0 $0x1  }
0x13: {  	[smem:$0x3FB8] =	sst s0;
	s0 =	simm.s32 @!p1 $0x0  }
0x14: {  	s2 =	sld [smem:$0x3F9C];
	s0 =	simm.s32 @p1 $0x1  }
0x15: {  	[smem:$0x3FB9] =	sst s0;
	s0 =	simm.s32 @!p2 $0x0  }
0x16: {  	s3 =	sld [smem:$0x3FDB];
	s0 =	simm.s32 @p2 $0x1  }
0x17: {  	s4 =	simm.s32 $0x1BF5;
	[smem:$0x3FBB] =	sst s0  }
0x18: {  	s0 =	sld [smem:$0x3F9E];
	_ =	swait.ge [sflag:s4], $0x0  }
0x19: {  	s7 =	sld [smem:$0x3F9F]  }
0x1a: {  	s8 =	sadd.s32 $0xFFFFE003, lr  }
0x1b: {  	s9 =	sadd.s32 $0xFFFFFEF7, lr;
	s5 =	simm.s32 $0xFFFFFFFF;
	p2 =	slt.u32 s8, $0xFFFFF086  }
0x1c: {  	p1 =	slt.u32 s9, $0xF7A;
	s5 =	simm.s32 @!p2 $0x0  }
0x1d: {  	s5 =	simm.s32 @p1 $0x1;
	p0 =	seq.s32 s7, s2  }
0x1e: {  	s7 =	smul.u32 @!p0 $0xF7A, s2;
	p2 =	seq.s32 @!p0 s5, $0x0  }
0x1f: {  	s9 =	smul.u32 $0xF7A, s1;
	s8 =	simm.s32 @!p0 $0x1BF5;
	p2 =	por !p2, p0  }
0x20: {  	[sflag:s8] =	ssyncset.s32 @!p0 $0xFFFFF086;
	s6 =	sadd.s32 @!p0 s3, s7;
	s7 =	simm.s32 @!p0 $0x108  }
0x21: {  	s3 =	sadd.s32 s3, s9;
	s6 =	sadd.s32 @!p0 $0x88, s6;
	s7 =	simm.s32 @p2 $0x1082  }
0x22: {  	[simem:s7], [sflag:s8] =	dma.local @!p0 [hbm:s6], $0xF7A  }
0x23: {  	s9 =	sor.u32 $0xD0000000, s2;
	s6 =	simm.s32 $0x108;
	_ =	swait.ge @!p0 [sflag:s8], $0x0  }
0x24: {  	s3 =	sadd.s32 $0x88, s3;
	s6 =	simm.s32 @!p1 $0x1082;
	[sflag:s4] =	ssyncset.s32 $0xFFFFF086  }
0x25: {  	[simem:s6], [sflag:s4] =	dma.local [hbm:s3], $0xF7A  }
0x26: {  	[smem:$0x3F9F] =	sst s1;
	(tag) =	ssettag s2;
	_ =	strace s9  }
0x27: {  	s1 =	sld [smem:$0x3FAF]  }
0x28: {  	s2 =	sld [smem:$0x3FB0]  }
0x29: {  	s4 =	sld [smem:$0x3FB2]  }
0x2a: {  	p0 =	seq.s32 s5, $0x0;
	s5 =	sld [smem:$0x3FB3]  }
0x2b: {  	s6 =	sld [smem:$0x3FB4]  }
0x2c: {  	s7 =	sld [smem:$0x3FB5]  }
0x2d: {  	s3 =	simm.s32 $0x108;
	s8 =	sld [smem:$0x3FB6]  }
0x2e: {  	s3 =	simm.s32 @!p0 $0x1082;
	s9 =	sld [smem:$0x3FB7]  }
0x2f: {  	lr =	sadd.s32 s0, s3;
	s0 =	sld [smem:$0x3FAE]  }
0x30: {  	s3 =	sld [smem:$0x3FB1]  }
0x31: {  	[smem:$0x3FBA] =	sst s10  }
0x32: {  	s10 =	sld [smem:$0x3FB8];
	_ =	sdelay $0x3  }
0x33: {  	p0 =	seq.s32 s10, $0x1;
	s10 =	sld [smem:$0x3FBA];
	_ =	sdelay $0x3  }
0x34: {  	[smem:$0x3FBA] =	sst s10  }
0x35: {  	s10 =	sld [smem:$0x3FB9];
	_ =	sdelay $0x3  }
0x36: {  	p1 =	seq.s32 s10, $0x1;
	s10 =	sld [smem:$0x3FBA];
	_ =	sdelay $0x3  }
0x37: {  	[smem:$0x3FBA] =	sst s10  }
0x38: {  	s10 =	sld [smem:$0x3FBB]  }
0x39: {  	_ = 	snop;
	(pc) =	sbr.ind lr, $3  }
0x3a: {  	_ = 	snop  }
0x3b: {  	_ = 	snop  }
0x3c: {  	p2 =	seq.s32 s10, $0x1;
	s10 =	sld [smem:$0x3FBA]  }
0x3d: {  	_ =	shalt  }
0x3e: {  	_ =	shalt  }
0x3f: {  	_ =	shalt  }
0x40: {  	_ =	shalt  }
0x41: {  	_ =	shalt  }
0x42: {  	_ =	shalt  }
0x43: {  	_ =	shalt  }
0x44: {  	_ =	shalt  }
0x45: {  	_ =	shalt  }
0x46: {  	_ =	shalt  }
0x47: {  	_ =	shalt  }
0x48: {  	_ =	shalt  }
0x49: {  	_ =	shalt  }
0x4a: {  	_ =	shalt  }
0x4b: {  	_ =	shalt  }
0x4c: {  	_ =	shalt  }
0x4d: {  	_ =	shalt  }
0x4e: {  	_ =	shalt  }
0x4f: {  	_ =	shalt  }
0x50: {  	_ =	shalt  }
0x51: {  	_ =	shalt  }
0x52: {  	_ =	shalt  }
0x53: {  	_ =	shalt  }
0x54: {  	_ =	shalt  }
0x55: {  	_ =	shalt  }
0x56: {  	_ =	shalt  }
0x57: {  	_ =	shalt  }
0x58: {  	_ =	shalt  }
0x59: {  	_ =	shalt  }
0x5a: {  	_ =	shalt  }
0x5b: {  	_ =	shalt  }
0x5c: {  	_ =	shalt  }
0x5d: {  	_ =	shalt  }
0x5e: {  	_ =	shalt  }
0x5f: {  	_ =	shalt  }
0x60: {  	_ =	shalt  }
0x61: {  	_ =	shalt  }
0x62: {  	_ =	shalt  }
0x63: {  	_ =	shalt  }
0x64: {  	_ =	shalt  }
0x65: {  	_ =	shalt  }
0x66: {  	_ =	shalt  }
0x67: {  	_ =	shalt  }
0x68: {  	_ =	shalt  }
0x69: {  	_ =	shalt  }
0x6a: {  	_ =	shalt  }
0x6b: {  	_ =	shalt  }
0x6c: {  	_ =	shalt  }
0x6d: {  	_ =	shalt  }
0x6e: {  	_ =	shalt  }
0x6f: {  	_ =	shalt  }
0x70: {  	_ =	shalt  }
0x71: {  	_ =	shalt  }
0x72: {  	_ =	shalt  }
0x73: {  	_ =	shalt  }
0x74: {  	_ =	shalt  }
0x75: {  	_ =	shalt  }
0x76: {  	_ =	shalt  }
0x77: {  	_ =	shalt  }
0x78: {  	_ =	shalt  }
0x79: {  	_ =	shalt  }
0x7a: {  	_ =	shalt  }
0x7b: {  	_ =	shalt  }
0x7c: {  	_ =	shalt  }
0x7d: {  	_ =	shalt  }
0x7e: {  	_ =	shalt  }
0x7f: {  	_ =	shalt  }
0x80: {  	_ =	shalt  }
0x81: {  	_ =	shalt  }
0x82: {  	_ =	shalt  }
0x83: {  	_ =	shalt  }
0x84: {  	_ =	shalt  }
0x85: {  	_ =	shalt  }
0x86: {  	_ =	shalt  }
0x87: {  	_ =	shalt  }
.Lfunc_end0:
.L_simem_size_0:
called_computation_lowered:
.L_overlay_start_0:
0x88: {  	s0 =	sld [smem:$0x3FD9]  }
0x89: {  	s1 =	sld [smem:$0x3FFE];
	_ =	sdelay $0x3  }
0x8a: {  	s0 =	sadd.s32 s1, s0  }
0x8b: {  	[smem:$0x3FC6] =	sst s0  }
0x8c: {  	_ = 	snop  }
0x8d: {  	s0 =	sld [smem:$0x3FD0];
	_ =	sdelay $0x2  }
0x8e: {  	s2 =	simm.s32 $0xA;
	s3 =	simm.s32 $0x10;
	s13 =	sld [smem:$0x3FC9]  }
0x8f: {  	[smem:s3], [sflag:s2] =	dma.local [hbm:s0], $0x1  }
0x90: {  	_ =	swait.eq [sflag:s2], $0x1  }
0x91: {  	[sflag:s2] =	ssyncset.done $0x0  }
0x92: {  	s14 =	sld [smem:$0x10];
	[sflag:s2] =	ssyncadd.s32 $0xFFFFFFFF  }
0x93: {  	s15 =	sld [smem:$0x11];
	(tm) =	ssettm $0x1  }
0x94: {  	s16 =	sld [smem:$0x3FFB];
	_ =	sdelay $0x3  }
0x95: {  	_ =	strace s16  }
0x96: {  	s3 =	sld [smem:$0x3FFC];
	_ =	sdelay $0x3  }
0x97: {  	_ =	strace s3  }
0x98: {  	s3 =	sld [smem:$0x3FFD];
	_ =	sdelay $0x3  }
0x99: {  	_ =	strace s3  }
0x9a: {  	_ =	strace $0x8FFFFFFF  }
0x9b: {  	s17 =	sld [smem:$0x3FDB];
	_ =	sdelay $0x1  }
0x9c: {  	s4 =	simm.s32 $_scs_section_size  }
0x9d: {  	s5 =	simm.s32 $_size__tile_overlayer_lowered;
	s6 =	simm.s32 $_tile_overlayer_lowered  }
0x9e: {  	s20 =	simm.s32 $0x1BFF;
	s19 =	sshll.u32 s6, $0x1;
	s3 =	sadd.s32 s4, s17  }
0x9f: {  	s7 =	simm.s32 $0x0;
	s18 =	sshll.u32 s5, $0x1;
	s5 =	sadd.s32 s19, s3  }
0xa0: {  	[timem:s7], [sflag:s20] =	dma.local [hbm:s5], s18  }
0xa1: {  	_ =	swait.ge [sflag:s20], s18  }
0xa2: {  	s4 =	ssub.s32 $0x0, s18;
	[sflag:s20] =	ssyncset.done $0x0  }
0xa3: {  	[sflag:s20] =	ssyncadd.s32 s4;
	_ =	sdelay $0x1  }
0xa4: {  	s21 =	simm.s32 $0x1B8B  }
0xa5: {  	_ =	swait.ge [sflag:s21], $0x1  }
0xa6: {  	[sflag:s21] =	ssyncset.done $0x0  }
0xa7: {  	s23 =	simm.s32 $0x1B8E;
	s22 =	sld [smem:$0x3FFE];
	[sflag:s21] =	ssyncadd.s32 $0xFFFFFFFF  }
0xa8: {  	s24 =	simm.s32 $execute0_lowered;
	[smem:$0x3FD2] =	sst s23  }
0xa9: {  	s5 =	sshll.u32 s24, $0x1;
	_ =	strace $0x80000046;
	[dreg:$0x1] =	wrdreg $0xFFFFFFFF  }
0xaa: {  	s25 =	simm.s32 $_size_execute0_lowered;
	s3 =	sadd.s32 s3, s5;
	[dreg:$0x0] =	wrdreg $0x0  }
0xab: {  	s5 =	sshll.u32 s25, $0x1;
	[dreg:$0x2] =	wrdreg s3  }
0xac: {  	[dreg:$0x3] =	wrdreg s5  }
0xad: {  	[dreg:$0x4] =	wrdreg $0xC0  }
0xae: {  	_ =	task [dreg:s7], $0x5FFFF  }
0xaf: {  	[dreg:$0x1] =	wrdreg $0xFFFFFFFF  }
0xb0: {  	[dreg:$0x0] =	wrdreg $0x60  }
0xb1: {  	[dreg:$0x2] =	wrdreg s13  }
0xb2: {  	[dreg:$0x3] =	wrdreg s22  }
0xb3: {  	[dreg:$0x4] =	wrdreg s14  }
0xb4: {  	[dreg:$0x5] =	wrdreg s15  }
0xb5: {  	[dreg:$0x6] =	wrdreg $0x9  }
0xb6: {  	_ =	task.clear_ibuf [dreg:s7], $0x7FFFF;
	_ =	strace $0x90000046  }
0xb7: {  	s26 =	simm.s32 $0x9;
	_ =	strace $0x80000048  }
0xb8: {  	_ =	swait.ge [sflag:s26], $0x1  }
0xb9: {  	[sflag:s26] =	ssyncadd.s32 $0xFFFFFFFF  }
0xba: {  	_ =	strace $0x90000048  }
0xbb: {  	_ =	sfence  }
0xbc: {  	s28 =	sld [smem:$0x0];
	_ =	sdelay $0x1  }
0xbd: {  	s29 =	srdreg.scid  }
0xbe: {  	s30 =	sshll.u32 s29, $0xD;
	s31 =	sshrl.u32 s29, $0x2  }
0xbf: {  	s1 =	sand.u32 $0x1, s29;
	s2 =	sand.u32 $0x4000, s30;
	s0 =	sadd.s32 s31, s28  }
0xc0: {  	s1 =	sor.u32 s2, s1;
	s0 =	sshll.u32 s0, $0x11  }
0xc1: {  	s0 =	sor.u32 s0, s1  }
0xc2: {  	s0 =	sadd.s32 $0x8F2B, s0  }
0xc3: {  	[sflag:s0] =	ssyncadd.remote.s32 $0x1  }
0xc4: {  	_ =	sfence.sel $0xFFFF  }
0xc5: {  	[dreg:$0x0] =	wrdreg $0xFFFFFFFF;
	(pc) =	sbr.abs _section_cstart, $3  }
0xc6: {  	[dreg:$0x1] =	wrdreg $0xFFFFFFFF  }
0xc7: {  	_ =	task.clear_ibuf [dreg:s7], $0x2FFFF;
	_ =	strace $0x9FFFFFFF  }
0xc8: {  	(tm) =	ssettm $0x7FFFFFFF  }
0xc9: {  	_ =	shalt  }
tec
execute0_lowered:
.L_overlay_start_1:
0x0: {  	(tag) =	ssettag $0x1  }
0x1: {  	s5 =	rddreg [dreg:$0x0]  }
0x2: {  	s6 =	rddreg [dreg:$0x1]  }
0x3: {  	s4 =	rddreg [dreg:$0x2]  }
0x4: {  	s2 =	rddreg [dreg:$0x3];
	s7 =	simm.s32 $0x0;
	s1 =	stileid.u32  }
0x5: {  	[smem:$0x7FF] =	sst s7;
	s3 =	sshll.u32 s1, $0x7  }
0x6: {  	s0 =	rddreg [dreg:$0x4];
	_ =	strace $0x80000047;
	s5 =	sadd.s32 s5, s3  }
0x7: {  	[tilespmem:s7], [sflag:$0x1] =	stream.linear.gather [hbm4b:s5+s7], $0x400, $0x38;
	[tilespmem:$0xD80] =	vst v63  }
0x8: {  	s6 =	sadd.s32 $0x600, s6;
	s5 =	simm.s32 $0x400  }
0x9: {  	[tilespmem:s5], [sflag:$0x1] =	stream.linear.gather [hbm4b:s6+s7], $0x180, $0x38;
	[tilespmem:$0xD80] =	vst v63  }
0xa: {  	s6 =	simm.s32 $0x1  }
0xb: {  	_ =	swait.ge [sflag:s6], $0x180  }
0xc: {  	[sflag:s6] =	ssyncset.done $0x0  }
0xd: {  	s8 =	simm.s32 $0x0;
	[sflag:s6] =	ssyncadd.s32 $0xFFFFFE80  }
0xe: {  	s9 =	sand.u32 $0x40, s8;
	_ =	swait.ge [sflag:s6], $0x400  }
0xf: {  	s8 =	sand.u32 $0x380, s8;
	s10 =	sor.u32 $0x20, s9;
	[sflag:s6] =	ssyncset.done $0x0  }
0x10: {  	s19 =	sor.u32 $0x10, s9;
	s11 =	sor.u32 s10, s8;
	[sflag:s6] =	ssyncadd.s32 $0xFFFFFC00  }
0x11: {  	s20 =	simm.s32 $0x40;
	s14 =	sor.u32 $0x30, s9;
	s12 =	sor.u32 s19, s8;
	v0 =	vld [tilespmem:s11+$0x0]  }
0x12: {  	s8 =	sor.u32 s14, s8;
	v1 =	vld [tilespmem:s12+$0x0];
	s12 =	sand.u32 $0x40, s20  }
0x13: {  	v2 =	vld [tilespmem:s8+$0x0];
	s8 =	sand.u32 $0x380, s20;
	s13 =	sor.u32 $0x10, s12  }
0x14: {  	s15 =	sor.u32 s13, s8  }
0x15: {  	v5 =	vld [tilespmem:s15+$0x0]  }
0x16: {  	v3 =	vld [tilespmem:s7+$0x0];
	v0 =	vshll.u32 v0, $0x1  }
0x17: {  	v1 =	vshll.u32 v1, $0x1  }
0x18: {  	s16 =	sor.u32 $0x20, s12  }
0x19: {  	s21 =	sor.u32 s16, s8;
	v2 =	vshll.u32 v2, $0x1  }
0x1a: {  	v6 =	vld [tilespmem:s21+$0x0];
	v10 =	vshll.u32 v5, $0x1  }
0x1b: {  	s17 =	sor.u32 $0x30, s12;
	v3 =	vshll.u32 v3, $0x1;
	v4 =	vld.idx.msk [tilespmem:v0+s5+$0x0], $0xffff  }
0x1c: {  	s8 =	sor.u32 s17, s8;
	v7 =	vld.idx.msk [tilespmem:v1+s5+$0x0], $0xffff  }
0x1d: {  	s7 =	sand.u32 $0x700, s7;
	v8 =	vld [tilespmem:s8+$0x0];
	v0 =	vor.u32 $0x1, v0  }
0x1e: {  	s22 =	sadd.s32 $0x580, s7;
	v1 =	vor.u32 $0x1, v1;
	v9 =	vld.idx.msk [tilespmem:v2+s5+$0x0], $0xffff  }
0x1f: {  	s7 =	sor.u32 s10, s22;
	v11 =	vld.idx.msk [tilespmem:v10+s5+$0x0], $0xffff  }
0x20: {  	s24 =	simm.s32 $0x40;
	s11 =	simm.s32 $0x80;
	s23 =	sor.u32 s19, s22;
	[tilespmem:s7+$0x0] =	vst v4;
	v4 =	vshll.u32 v6, $0x1;
	v6 =	vld.idx.msk [tilespmem:v3+s5+$0x0], $0xffff  }
0x21: {  	p0 =	por $0x0, $0x0;
	[tilespmem:s23+$0x0] =	vst v7;
	s7 =	sand.u32 $0x40, s11;
	v7 =	vld [tilespmem:s24+$0x0]  }
0x22: {  	s18 =	sor.u32 s9, s22;
	s19 =	sand.u32 $0x380, s11;
	v12 =	vor.u32 $0x1, v2;
	v5 =	vld.idx.msk [tilespmem:v0+s5+$0x0], $0xffff;
	s8 =	sor.u32 $0x10, s7  }
0x23: {  	s9 =	simm.s32 $0x1;
	v3 =	vor.u32 $0x1, v3;
	v1 =	vld.idx.msk [tilespmem:v1+s5+$0x0], $0xffff;
	s10 =	sor.u32 $0x20, s7;
	s20 =	sor.u32 s8, s19  }
0x24: {  	s9 =	simm.s32 @!p0 $0x0;
	s25 =	sor.u32 s10, s19;
	v13 =	vld [tilespmem:s20+$0x0]  }
0x25: {  	s15 =	sor.u32 s14, s22;
	s14 =	simm.s32 $0x80;
	s9 =	sshll.u32 s9, $0x6;
	v0 =	vshll.u32 v8, $0x1;
	v14 =	vld [tilespmem:s25+$0x0]  }
0x26: {  	s28 =	sand.u32 $0x700, s14;
	s21 =	sadd.s32 $0x0, s9;
	[tilespmem:s15+$0x0] =	vst v9;
	v8 =	vld.idx.msk [tilespmem:v4+s5+$0x0], $0xffff;
	v2 =	vshll.u32 v7, $0x1  }
0x27: {  	s26 =	sadd.s32 $0x20, s21;
	s9 =	sor.u32 $0x30, s7;
	v15 =	vor.u32 $0x1, v4;
	s20 =	sadd.s32 $0x580, s28;
	[tilespmem:s18+$0x0] =	vst v6;
	v6 =	vld.idx.msk [tilespmem:v12+s5+$0x0], $0xffff  }
0x28: {  	s30 =	sadd.s32 $0x10, s21;
	v10 =	vor.u32 $0x1, v10;
	s19 =	sor.u32 s9, s19;
	s31 =	sor.u32 s13, s20;
	v4 =	vld.idx.msk [tilespmem:v3+s5+$0x0], $0xffff  }
0x29: {  	p0 =	por !p0, !p0;
	s29 =	sor.u32 $0x80, s26;
	s18 =	sor.u32 $0x80, s30;
	[tilespmem:s31+$0x0] =	vst v11;
	v3 =	vld [tilespmem:s19+$0x0]  }
0x2a: {  	s15 =	sadd.s32 $0x30, s21;
	s16 =	sor.u32 s16, s20;
	s13 =	sor.u32 s12, s20;
	v7 =	vld.idx.msk [tilespmem:v0+s5+$0x0], $0xffff;
	[tilespmem:s18+$0x580] =	vst v1;
	v1 =	vshll.u32 v13, $0x1  }
0x2b: {  	s17 =	sor.u32 s17, s20;
	s12 =	simm.s32 $0x100;
	s19 =	simm.s32 $0x1;
	[tilespmem:s16+$0x0] =	vst v8;
	v8 =	vshll.u32 v14, $0x1;
	v9 =	vld.idx.msk [tilespmem:v2+s5+$0x0], $0xffff  }
0x2c: {  	[tilespmem:s29+$0x580] =	vst v5;
	s18 =	sor.u32 $0x80, s21;
	s19 =	simm.s32 @!p0 $0x0;
	s16 =	simm.s32 $0x80;
	v5 =	vld.idx.msk [tilespmem:v15+s5+$0x0], $0xffff  }
.LBB2_1:
0x2d: {  	s11 =	sadd.s32 $0x40, s11;
	s19 =	sshll.u32 s19, $0x6;
	v10 =	vld.idx.msk [tilespmem:v10+s5+$0x0], $0xffff;
	[tilespmem:s18+$0x580] =	vst v4;
	s15 =	sor.u32 $0x80, s15  }
0x2e: {  	v11 =	vor.u32 $0x1, v2;
	s20 =	sand.u32 $0x40, s11;
	s21 =	sand.u32 $0x380, s11;
	v4 =	vld [tilespmem:s16+$0x0];
	s18 =	sadd.s32 s19, s14  }
0x2f: {  	v2 =	vshll.u32 v3, $0x1;
	s19 =	sor.u32 $0x10, s20;
	s22 =	sor.u32 $0x30, s20;
	v12 =	vld.idx.msk [tilespmem:v1+s5+$0x0], $0xffff;
	s14 =	sadd.s32 $0x20, s18;
	[tilespmem:s17+$0x0] =	vst v7  }
0x30: {  	v14 =	vor.u32 $0x1, v0;
	v0 =	vmov v2;
	s23 =	sor.u32 $0x20, s20;
	s17 =	sor.u32 s19, s21;
	v13 =	vld.idx.msk [tilespmem:v8+s5+$0x0], $0xffff;
	s14 =	sor.u32 $0x80, s14;
	[tilespmem:s15+$0x580] =	vst v6  }
0x31: {  	s24 =	sadd.s32 $0x10, s18;
	s15 =	sadd.s32 $0x30, s18;
	v6 =	vld [tilespmem:s17+$0x0];
	s17 =	sor.u32 s23, s21;
	[tilespmem:s14+$0x580] =	vst v5  }
0x32: {  	v15 =	vor.u32 $0x1, v8;
	s14 =	sand.u32 $0x700, s12;
	v5 =	vld [tilespmem:s17+$0x0];
	s17 =	sor.u32 s22, s21;
	[tilespmem:s13+$0x0] =	vst v9;
	s13 =	sor.u32 $0x80, s24  }
0x33: {  	p1 =	slt.u32 s11, $0x3C0;
	s21 =	sadd.s32 $0x580, s14;
	s14 =	smov.u32 s12;
	v2 =	vshll.u32 v4, $0x1;
	v4 =	vld.idx.msk [tilespmem:v11+s5+$0x0], $0xffff;
	[tilespmem:s13+$0x580] =	vst v10  }
.Ltmp0:
0x34: {  	s8 =	sor.u32 s8, s21;
	v10 =	vor.u32 $0x1, v1;
	s10 =	sor.u32 s10, s21;
	v3 =	vld [tilespmem:s17+$0x0];
	(pc) =	sbr.rel @p1 .LBB2_1-.Ltmp0, $4  }
0x35: {  	s13 =	sor.u32 s7, s21;
	s7 =	smov.u32 s20;
	s17 =	sor.u32 s9, s21;
	[tilespmem:s8+$0x0] =	vst v12;
	v7 =	vld.idx.msk [tilespmem:v0+s5+$0x0], $0xffff  }
0x36: {  	s9 =	smov.u32 s22;
	s8 =	smov.u32 s19;
	v1 =	vshll.u32 v6, $0x1;
	[tilespmem:s10+$0x0] =	vst v13;
	v6 =	vld.idx.msk [tilespmem:v14+s5+$0x0], $0xffff;
	s10 =	smov.u32 s23  }
0x37: {  	p0 =	por !p0, !p0;
	s12 =	sadd.s32 $0x80, s12;
	s19 =	simm.s32 $0x1;
	v8 =	vshll.u32 v5, $0x1;
	v5 =	vld.idx.msk [tilespmem:v15+s5+$0x0], $0xffff  }
0x38: {  	s16 =	sadd.s32 $0x40, s16;
	s18 =	sor.u32 $0x80, s18;
	s19 =	simm.s32 @!p0 $0x0;
	v9 =	vld.idx.msk [tilespmem:v2+s5+$0x0], $0xffff  }
0x39: {  	v11 =	vld [tilespmem:s16+$0x0];
	_ =	sdelay $0x3  }
0x3a: {  	v3 =	vshll.u32 v3, $0x1  }
0x3b: {  	s11 =	sshll.u32 s19, $0x6;
	v11 =	vshll.u32 v11, $0x1  }
0x3c: {  	[tilespmem:s18+$0x580] =	vst v4;
	v2 =	vor.u32 $0x1, v2;
	v56 =	vld.idx.msk [tilespmem:v8+s5+$0x0], $0xffff;
	s11 =	sadd.s32 s11, s14  }
0x3d: {  	s28 =	sor.u32 $0x80, s15;
	v57 =	vld.idx.msk [tilespmem:v1+s5+$0x0], $0xffff;
	v58 =	vor.u32 $0x1, v8;
	[tilespmem:s17+$0x0] =	vst v7;
	s29 =	sadd.s32 $0x20, s11  }
0x3e: {  	v10 =	vld.idx.msk [tilespmem:v10+s5+$0x0], $0xffff;
	s31 =	sand.u32 $0x700, s12;
	v59 =	vor.u32 $0x1, v1;
	[tilespmem:s28+$0x580] =	vst v6;
	s15 =	sor.u32 $0x80, s29  }
0x3f: {  	v0 =	vor.u32 $0x1, v0;
	[tilespmem:s15+$0x580] =	vst v5;
	s15 =	sadd.s32 $0x580, s31;
	v61 =	vld.idx.msk [tilespmem:v3+s5+$0x0], $0xffff  }
0x40: {  	[tilespmem:s13+$0x0] =	vst v9;
	s10 =	sor.u32 s10, s15;
	v3 =	vor.u32 $0x1, v3;
	v60 =	vld.idx.msk [tilespmem:v11+s5+$0x0], $0xffff  }
0x41: {  	p0 =	por !p0, !p0;
	s30 =	sadd.s32 $0x10, s11;
	v2 =	vld.idx.msk [tilespmem:v2+s5+$0x0], $0xffff;
	s8 =	sor.u32 s8, s15;
	v62 =	vor.u32 $0x1, v11;
	[tilespmem:s10+$0x0] =	vst v56  }
0x42: {  	s6 =	simm.s32 @!p0 $0x0;
	s14 =	sor.u32 $0x80, s30;
	[tilespmem:s8+$0x0] =	vst v57;
	v4 =	vld.idx.msk [tilespmem:v58+s5+$0x0], $0xffff  }
0x43: {  	s6 =	sshll.u32 s6, $0x6;
	[tilespmem:s14+$0x580] =	vst v10;
	s16 =	sor.u32 s9, s15;
	v1 =	vld.idx.msk [tilespmem:v59+s5+$0x0], $0xffff  }
0x44: {  	s6 =	sadd.s32 s6, s12;
	v0 =	vld.idx.msk [tilespmem:v0+s5+$0x0], $0xffff;
	s7 =	sor.u32 s7, s15;
	[tilespmem:s16+$0x0] =	vst v61  }
0x45: {  	s18 =	sor.u32 $0x80, s11;
	s19 =	sadd.s32 $0x20, s6;
	v63 =	vld.idx.msk [tilespmem:v3+s5+$0x0], $0xffff;
	[tilespmem:s7+$0x0] =	vst v60  }
0x46: {  	s21 =	sadd.s32 $0x10, s6;
	s20 =	sor.u32 $0x80, s19;
	[tilespmem:s18+$0x580] =	vst v2;
	v5 =	vld.idx.msk [tilespmem:v62+s5+$0x0], $0xffff  }
0x47: {  	s17 =	sadd.s32 $0x30, s11;
	s22 =	sor.u32 $0x80, s21;
	[tilespmem:s20+$0x580] =	vst v4  }
0x48: {  	s23 =	sadd.s32 $0x30, s6;
	[tilespmem:s22+$0x580] =	vst v1;
	s7 =	sor.u32 $0x80, s17  }
0x49: {  	s25 =	sor.u32 $0x80, s23;
	[tilespmem:s7+$0x580] =	vst v0  }
0x4a: {  	s24 =	sor.u32 $0x80, s6;
	[tilespmem:s25+$0x580] =	vst v63  }
0x4b: {  	s4 =	sadd.s32 s4, s3;
	s26 =	simm.s32 $0x580;
	s5 =	simm.s32 $0x0;
	[tilespmem:s24+$0x580] =	vst v5  }
0x4c: {  	[hbm4b:s4+s5] =	stream.linear.scatter [tilespmem:s26], [sflag:$0x1], $0x80, $0x38;
	[tilespmem:$0xD80] =	vst v63  }
0x4d: {  	s28 =	sadd.s32 $0x10, s4;
	s29 =	simm.s32 $0x680  }
0x4e: {  	[hbm4b:s28+s5] =	stream.linear.scatter [tilespmem:s29], [sflag:$0x1], $0x80, $0x38;
	[tilespmem:$0xD80] =	vst v63  }
0x4f: {  	s30 =	sadd.s32 $0x20, s4;
	s31 =	simm.s32 $0x780  }
0x50: {  	[hbm4b:s30+s5] =	stream.linear.scatter [tilespmem:s31], [sflag:$0x1], $0x80, $0x38;
	[tilespmem:$0xD80] =	vst v63  }
0x51: {  	s8 =	simm.s32 $0x880;
	s7 =	sadd.s32 $0x30, s4  }
0x52: {  	[hbm4b:s7+s5] =	stream.linear.scatter [tilespmem:s8], [sflag:$0x1], $0x80, $0x38;
	[tilespmem:$0xD80] =	vst v63  }
0x53: {  	s9 =	sadd.s32 $0x40, s4;
	s10 =	simm.s32 $0x980  }
0x54: {  	[hbm4b:s9+s5] =	stream.linear.scatter [tilespmem:s10], [sflag:$0x1], $0x80, $0x38;
	[tilespmem:$0xD80] =	vst v63  }
0x55: {  	s11 =	sadd.s32 $0x50, s4;
	s12 =	simm.s32 $0xA80  }
0x56: {  	[hbm4b:s11+s5] =	stream.linear.scatter [tilespmem:s12], [sflag:$0x1], $0x80, $0x38;
	[tilespmem:$0xD80] =	vst v63  }
0x57: {  	s13 =	sadd.s32 $0x60, s4;
	s14 =	simm.s32 $0xB80  }
0x58: {  	[hbm4b:s13+s5] =	stream.linear.scatter [tilespmem:s14], [sflag:$0x1], $0x80, $0x38;
	[tilespmem:$0xD80] =	vst v63  }
0x59: {  	s15 =	simm.s32 $0xC80;
	s4 =	sadd.s32 $0x70, s4  }
0x5a: {  	[hbm4b:s4+s5] =	stream.linear.scatter [tilespmem:s15], [sflag:$0x1], $0x80, $0x38;
	[tilespmem:$0xD80] =	vst v63  }
0x5b: {  	s2 =	sadd.s32 s2, s3;
	s16 =	simm.s32 $0x600  }
0x5c: {  	[hbm4b:s2+s5] =	stream.linear.scatter [tilespmem:s16], [sflag:$0x1], $0x80, $0x38;
	[tilespmem:$0xD80] =	vst v63  }
0x5d: {  	s18 =	simm.s32 $0x700;
	s17 =	sadd.s32 $0x10, s2  }
0x5e: {  	[hbm4b:s17+s5] =	stream.linear.scatter [tilespmem:s18], [sflag:$0x1], $0x80, $0x38;
	[tilespmem:$0xD80] =	vst v63  }
0x5f: {  	s19 =	sadd.s32 $0x20, s2;
	s20 =	simm.s32 $0x800  }
0x60: {  	[hbm4b:s19+s5] =	stream.linear.scatter [tilespmem:s20], [sflag:$0x1], $0x80, $0x38;
	[tilespmem:$0xD80] =	vst v63  }
0x61: {  	s21 =	sadd.s32 $0x30, s2;
	s22 =	simm.s32 $0x900  }
0x62: {  	[hbm4b:s21+s5] =	stream.linear.scatter [tilespmem:s22], [sflag:$0x1], $0x80, $0x38;
	[tilespmem:$0xD80] =	vst v63  }
0x63: {  	s23 =	sadd.s32 $0x40, s2;
	s24 =	simm.s32 $0xA00  }
0x64: {  	[hbm4b:s23+s5] =	stream.linear.scatter [tilespmem:s24], [sflag:$0x1], $0x80, $0x38;
	[tilespmem:$0xD80] =	vst v63  }
0x65: {  	s25 =	sadd.s32 $0x50, s2;
	s26 =	simm.s32 $0xB00  }
0x66: {  	[hbm4b:s25+s5] =	stream.linear.scatter [tilespmem:s26], [sflag:$0x1], $0x80, $0x38;
	[tilespmem:$0xD80] =	vst v63  }
0x67: {  	s28 =	sadd.s32 $0x60, s2;
	s29 =	simm.s32 $0xC00  }
0x68: {  	[hbm4b:s28+s5] =	stream.linear.scatter [tilespmem:s29], [sflag:$0x1], $0x80, $0x38;
	[tilespmem:$0xD80] =	vst v63  }
0x69: {  	s30 =	simm.s32 $0xD00;
	s31 =	simm.s32 $0x1;
	s2 =	sadd.s32 $0x70, s2  }
0x6a: {  	[hbm4b:s2+s5] =	stream.linear.scatter [tilespmem:s30], [sflag:$0x1], $0x80, $0x38;
	[tilespmem:$0xD80] =	vst v63  }
0x6b: {  	_ =	swait.ge [sflag:s31], $0x400  }
0x6c: {  	[sflag:s31] =	ssyncset.done $0x0  }
0x6d: {  	[sflag:s31] =	ssyncadd.s32 $0xFFFFFC00  }
0x6e: {  	_ =	swait.ge [sflag:s31], $0x400  }
0x6f: {  	[sflag:s31] =	ssyncset.done $0x0  }
0x70: {  	[sflag:s31] =	ssyncadd.s32 $0xFFFFFC00  }
0x71: {  	_ =	sfence.sel $0x180000  }
0x72: {  	[bflag:$0x0] =	sbarrier.arrive $0xFFFF  }
0x73: {  	p0 =	sne.s32 s1, $0x0;
	_ =	strace $0x90000047  }
0x74: {  	s0 =	sadd.s32 @!p0 $0x100000, s0;
	[bflag:$0x2] =	sbarrier.arrive $0xFFFF  }
0x75: {  	[sflag:s0] =	ssyncadd.tile.s32 @!p0 $0x1;
	_ =	shalt  }
.Lfunc_end2:
_tile_overlayer_lowered:
.L_overlay_start_2:
0x76: {  	(tag) =	ssettag $0x2  }
0x77: {  	s0 =	rddreg [dreg:$0x0];
	s2 =	stileid.u32  }
0x78: {  	s1 =	rddreg [dreg:$0x1];
	p0 =	sne.s32 s2, $0x0  }
0x79: {  	s3 =	rddreg [dreg:$0x2];
	[bflag:$0x3] =	sbarrier.arrive $0xFFFF;
	s2 =	simm.s32 @!p0 $0x1C02  }
0x7a: {  	[timem:s3], [sflag:s2] =	dma.local @!p0 [hbm:s0], s1  }
0x7b: {  	s0 =	simm.s32 @!p0 $0x2  }
0x7c: {  	_ =	swait.ge @!p0 [sflag:s0], s1  }
0x7d: {  	s1 =	ssub.s32 @!p0 $0x0, s1;
	[sflag:s0] =	ssyncset.done @!p0 $0x0  }
0x7e: {  	[sflag:s0] =	ssyncadd.s32 @!p0 s1  }
0x7f: {  	[bflag:$0x3] =	sbarrier.arrive $0xFFFF  }
0x80: {  	_ =	shalt  }

</sc_bundles>
